<compile_context>
chip_gen: v7x
topology: tpu7x:2x2x1
jax: 0.10.2.dev20260603
libtpu: 0.0.44.dev20260713+nightly
codegen_flags: <defaults>
</compile_context>

<pallas_src>
import jax
import jax.numpy as jnp
from jax.experimental import pallas as pl
from jax.experimental.pallas import tpu as pltpu

_MARGIN = 1.0
_BETA = 0.2
_N = 16384
_B = 256
_C = 2048


def _pauc_body(f_ref, yt_ref, u_ref, out_ref):
    f_all = f_ref[...]
    yt_all = yt_ref[...]
    neg_all = yt_all == 0
    pos_all = yt_all == 1

    npos = jnp.sum(pos_all.astype(jnp.float32))
    nneg = jnp.sum(neg_all.astype(jnp.float32))

    lo = jnp.min(jnp.where(neg_all, f_all, jnp.inf))
    hi = jnp.max(jnp.where(neg_all, f_all, -jnp.inf))
    rng = hi - lo
    inv_w = jnp.where(rng > 0, (_B - 1.0) / rng, 0.0)

    b_col = jax.lax.broadcasted_iota(jnp.int32, (_B, 1), 0).astype(jnp.float32)
    e_col = lo + b_col * (rng / (_B - 1.0))

    def step(k, carry):
        cnt, s1, s2, p0, p1, p2 = carry
        f = f_ref[:, pl.ds(k * _C, _C)]
        yt = yt_ref[:, pl.ds(k * _C, _C)]
        u = u_ref[:, pl.ds(k * _C, _C)]

        isneg = yt == 0
        w0 = jnp.where(isneg, 1.0, 0.0)
        w1 = jnp.where(isneg, f, 0.0)
        w2 = w1 * f
        ge = f >= e_col
        cnt = cnt + jnp.sum(jnp.where(ge, w0, 0.0), axis=1, keepdims=True)
        s1 = s1 + jnp.sum(jnp.where(ge, w1, 0.0), axis=1, keepdims=True)
        s2 = s2 + jnp.sum(jnp.where(ge, w2, 0.0), axis=1, keepdims=True)

        c = _MARGIN - f
        t = jnp.sqrt(jnp.maximum(u, 0.0)) - c
        m = jnp.clip(jnp.floor((t - lo) * inv_w) + 1.0, 0.0, _B - 1.0)
        gate = (yt == 1) & (t < hi)
        g0 = jnp.where(gate, 1.0, 0.0)
        g1 = jnp.where(gate, c, 0.0)
        g2 = g1 * c
        eqm = m == b_col
        p0 = p0 + jnp.sum(jnp.where(eqm, g0, 0.0), axis=1, keepdims=True)
        p1 = p1 + jnp.sum(jnp.where(eqm, g1, 0.0), axis=1, keepdims=True)
        p2 = p2 + jnp.sum(jnp.where(eqm, g2, 0.0), axis=1, keepdims=True)
        return cnt, s1, s2, p0, p1, p2

    zeros = jnp.zeros((_B, 1), jnp.float32)
    cnt, s1, s2, p0, p1, p2 = jax.lax.fori_loop(
        0, _N // _C, step, (zeros, zeros, zeros, zeros, zeros, zeros))

    total = jnp.sum(p2 * cnt + 2.0 * (p1 * s1) + p0 * s2)
    loss = (total / (npos * nneg)) / _BETA
    out_ref[...] = jnp.reshape(loss, (1, 1))


def kernel(y_pred, y_true, index, u_pos):
    f_row = y_pred.reshape(1, _N).astype(jnp.float32)
    yt_row = y_true.reshape(1, _N)
    u_row = u_pos.reshape(-1)[index.reshape(-1)].reshape(1, _N)

    out = pl.pallas_call(
        _pauc_body,
        out_shape=jax.ShapeDtypeStruct((1, 1), jnp.float32),
    )(f_row, yt_row, u_row)
    return out[0, 0]

# --- scband reference (transcript-rebuilt; emitter-appended) ---
"""Pipeline reference for scband-p-auc-cva-r-loss-74036646249047 (READ-ONLY COPY).

The authoritative reference and input builder live on the scoring server;
editing this copy changes nothing except your own understanding.
"""

import jax, jax.numpy as jnp
import numpy as np

MARGIN = 1.0
BETA = 0.2
DATA_LEN = 16384


def setup_inputs(seed: int = 0) -> dict:
    key = jax.random.key(seed)
    k1, k2 = jax.random.split(key)
    y_pred = jax.random.normal(k1, (16384, 1), dtype=jnp.float32)
    y_true = jax.random.randint(k2, (16384,), 0, 2).astype(jnp.int32)
    index = jnp.arange(16384, dtype=jnp.int32)
    # dual-variable buffer u_pos (state of the loss module), initialized to zeros
    u_pos = jnp.zeros((DATA_LEN, 1), dtype=jnp.float32)
    return {"y_pred": y_pred, "y_true": y_true, "index": index, "u_pos": u_pos}


def reference(y_pred, y_true, index, u_pos):
    # check_tensor_shape equivalents
    y_pred = y_pred.reshape(-1, 1)
    y_true = y_true.reshape(-1, 1)
    index = index.reshape(-1)

    pos_mask = (y_true == 1).squeeze()
    neg_mask = (y_true == 0).squeeze()

    f_all_col = y_pred                 # [N, 1]
    f_all_row = y_pred.reshape(-1)     # [N]

    # squared hinge surrogate on all (i, j) pairs; only (pos_i, neg_j) kept below
    surr_loss = jnp.maximum(MARGIN - (f_all_col - f_all_row), 0.0) ** 2  # [N, N]

    # CVaR truncation: keep only pairwise losses above the dual variable s_i,
    # gathered per full-batch row via the index buffer (u_pos[index][pos rows]
    # equals u_pos[index[pos_mask]] of the original)
    u_rows = u_pos[index]              # [N, 1]
    p = surr_loss > u_rows             # [N, N] bool (detached in torch impl)

    pair_mask = pos_mask[:, None] & neg_mask[None, :]  # [N, N]
    masked = jnp.where(pair_mask, p.astype(surr_loss.dtype) * surr_loss, 0.0)

    n_pos = jnp.sum(pos_mask).astype(surr_loss.dtype)
    n_neg = jnp.sum(neg_mask).astype(surr_loss.dtype)

    loss = (jnp.sum(masked) / (n_pos * n_neg)) / BETA
    return loss

if __name__ == "__main__":
    import jax
    _d = setup_inputs()
    print(jax.jit(kernel)(*tuple(_d.values())))

</pallas_src>

<mosaic_0001>
module attributes {stable_mosaic.version = 14 : i64} {
  func.func @_pauc_body(%arg0: memref<1x16384xf32, #tpu.memory_space<vmem>>, %arg1: memref<1x16384xi32, #tpu.memory_space<vmem>>, %arg2: memref<1x16384xf32, #tpu.memory_space<vmem>>, %arg3: memref<1x1xf32, #tpu.memory_space<vmem>>) attributes {dimension_semantics = [], scalar_prefetch = 0 : i64, scratch_operands = 0 : i64, tpu.core_type = #tpu.core_type<tc>} {
    %get3A = arith.constant 0 : index
    %get3A_0 = arith.constant 0 : index
    %get3A_1 = vector.load %arg0[%get3A, %get3A_0] : memref<1x16384xf32, #tpu.memory_space<vmem>>, vector<1x16384xf32>
    %get3A_2 = arith.constant 0 : index
    %get3A_3 = arith.constant 0 : index
    %get3A_4 = vector.load %arg1[%get3A_2, %get3A_3] : memref<1x16384xi32, #tpu.memory_space<vmem>>, vector<1x16384xi32>
    %eq3A = arith.constant 0 : i32
    %eq3A_5 = vector.broadcast %eq3A : i32 to vector<1x16384xi32>
    %eq3A_6 = arith.cmpi eq, %get3A_4, %eq3A_5 : vector<1x16384xi32>
    %eq3A_7 = arith.constant 1 : i32
    %eq3A_8 = vector.broadcast %eq3A_7 : i32 to vector<1x16384xi32>
    %eq3A_9 = arith.cmpi eq, %get3A_4, %eq3A_8 : vector<1x16384xi32>
    %convert_element_type3A = arith.extui %eq3A_9 : vector<1x16384xi1> to vector<1x16384xi32>
    %convert_element_type3A_10 = arith.sitofp %convert_element_type3A : vector<1x16384xi32> to vector<1x16384xf32>
    %reduce_sum3A = vector.shape_cast %convert_element_type3A_10 : vector<1x16384xf32> to vector<1x1x16384xf32>
    %reduce_sum3A_11 = arith.constant dense<0.000000e+00> : vector<1xf32>
    %reduce_sum3A_12 = vector.multi_reduction <add>, %reduce_sum3A, %reduce_sum3A_11 [1, 2] : vector<1x1x16384xf32> to vector<1xf32>
    %reduce_sum3A_13 = vector.shape_cast %reduce_sum3A_12 : vector<1xf32> to vector<1x1x1xf32>
    %reduce_sum3A_14 = vector.extract %reduce_sum3A_13[0, 0, 0] : f32 from vector<1x1x1xf32>
    %convert_element_type3A_15 = arith.extui %eq3A_6 : vector<1x16384xi1> to vector<1x16384xi32>
    %convert_element_type3A_16 = arith.sitofp %convert_element_type3A_15 : vector<1x16384xi32> to vector<1x16384xf32>
    %reduce_sum3A_17 = vector.shape_cast %convert_element_type3A_16 : vector<1x16384xf32> to vector<1x1x16384xf32>
    %reduce_sum3A_18 = arith.constant dense<0.000000e+00> : vector<1xf32>
    %reduce_sum3A_19 = vector.multi_reduction <add>, %reduce_sum3A_17, %reduce_sum3A_18 [1, 2] : vector<1x1x16384xf32> to vector<1xf32>
    %reduce_sum3A_20 = vector.shape_cast %reduce_sum3A_19 : vector<1xf32> to vector<1x1x1xf32>
    %reduce_sum3A_21 = vector.extract %reduce_sum3A_20[0, 0, 0] : f32 from vector<1x1x1xf32>
    %jit3A = arith.constant 0x7F800000 : f32
    %broadcast_in_dim3A = vector.broadcast %jit3A : f32 to vector<1x16384xf32>
    %select_n3A = arith.select %eq3A_6, %get3A_1, %broadcast_in_dim3A : vector<1x16384xi1>, vector<1x16384xf32>
    %reduce_min3A = vector.shape_cast %select_n3A : vector<1x16384xf32> to vector<1x1x16384xf32>
    %reduce_min3A_22 = arith.constant dense<0x7F800000> : vector<1xf32>
    %reduce_min3A_23 = vector.multi_reduction <minimumf>, %reduce_min3A, %reduce_min3A_22 [1, 2] : vector<1x1x16384xf32> to vector<1xf32>
    %reduce_min3A_24 = vector.shape_cast %reduce_min3A_23 : vector<1xf32> to vector<1x1x1xf32>
    %reduce_min3A_25 = vector.extract %reduce_min3A_24[0, 0, 0] : f32 from vector<1x1x1xf32>
    %jit3A_26 = arith.constant 0xFF800000 : f32
    %broadcast_in_dim3A_27 = vector.broadcast %jit3A_26 : f32 to vector<1x16384xf32>
    %select_n3A_28 = arith.select %eq3A_6, %get3A_1, %broadcast_in_dim3A_27 : vector<1x16384xi1>, vector<1x16384xf32>
    %reduce_max3A = vector.shape_cast %select_n3A_28 : vector<1x16384xf32> to vector<1x1x16384xf32>
    %reduce_max3A_29 = arith.constant dense<0xFF800000> : vector<1xf32>
    %reduce_max3A_30 = vector.multi_reduction <maximumf>, %reduce_max3A, %reduce_max3A_29 [1, 2] : vector<1x1x16384xf32> to vector<1xf32>
    %reduce_max3A_31 = vector.shape_cast %reduce_max3A_30 : vector<1xf32> to vector<1x1x1xf32>
    %reduce_max3A_32 = vector.extract %reduce_max3A_31[0, 0, 0] : f32 from vector<1x1x1xf32>
    %sub3A = arith.subf %reduce_max3A_32, %reduce_min3A_25 : f32
    %gt3A = arith.constant 0.000000e+00 : f32
    %gt3A_33 = arith.cmpf ogt, %sub3A, %gt3A : f32
    %div3A = arith.constant 2.550000e+02 : f32
    %div3A_34 = arith.divf %div3A, %sub3A : f32
    %jit3A_35 = arith.constant 0.000000e+00 : f32
    %select_n3A_36 = arith.select %gt3A_33, %div3A_34, %jit3A_35 : f32
    %iota3A = tpu.iota {dimensions = array<i32: 0>} : vector<256x1xi32>
    %convert_element_type3A_37 = arith.sitofp %iota3A : vector<256x1xi32> to vector<256x1xf32>
    %div3A_38 = arith.constant 2.550000e+02 : f32
    %div3A_39 = arith.divf %sub3A, %div3A_38 : f32
    %mul3A = vector.broadcast %div3A_39 : f32 to vector<256x1xf32>
    %mul3A_40 = arith.mulf %convert_element_type3A_37, %mul3A : vector<256x1xf32>
    %add3A = vector.broadcast %reduce_min3A_25 : f32 to vector<256x1xf32>
    %add3A_41 = arith.addf %add3A, %mul3A_40 : vector<256x1xf32>
    %broadcast_in_dim3A_42 = arith.constant 0.000000e+00 : f32
    %broadcast_in_dim3A_43 = vector.broadcast %broadcast_in_dim3A_42 : f32 to vector<256x1xf32>
    %scan3A = arith.constant 0 : i32
    %scan3A_44 = arith.constant 8 : i32
    %scan3A_45 = arith.addi %scan3A, %scan3A_44 : i32
    %scan3A_46 = arith.constant 1 : i32
    %scan3A_47:6 = scf.for %scan3A_68 = %scan3A to %scan3A_45 step %scan3A_46 iter_args(%scan3A_69 = %broadcast_in_dim3A_43, %scan3A_70 = %broadcast_in_dim3A_43, %scan3A_71 = %broadcast_in_dim3A_43, %scan3A_72 = %broadcast_in_dim3A_43, %scan3A_73 = %broadcast_in_dim3A_43, %scan3A_74 = %broadcast_in_dim3A_43) -> (vector<256x1xf32>, vector<256x1xf32>, vector<256x1xf32>, vector<256x1xf32>, vector<256x1xf32>, vector<256x1xf32>)  : i32 {
      %mul3A_75 = arith.constant 2048 : i32
      %mul3A_76 = arith.muli %scan3A_68, %mul3A_75 : i32
      %get3A_77 = arith.constant 0 : index
      %get3A_78 = arith.index_cast %mul3A_76 : i32 to index
      %get3A_79 = vector.load %arg0[%get3A_77, %get3A_78] : memref<1x16384xf32, #tpu.memory_space<vmem>>, vector<1x2048xf32>
      %mul3A_80 = arith.constant 2048 : i32
      %mul3A_81 = arith.muli %scan3A_68, %mul3A_80 : i32
      %get3A_82 = arith.constant 0 : index
      %get3A_83 = arith.index_cast %mul3A_81 : i32 to index
      %get3A_84 = vector.load %arg1[%get3A_82, %get3A_83] : memref<1x16384xi32, #tpu.memory_space<vmem>>, vector<1x2048xi32>
      %mul3A_85 = arith.constant 2048 : i32
      %mul3A_86 = arith.muli %scan3A_68, %mul3A_85 : i32
      %get3A_87 = arith.constant 0 : index
      %get3A_88 = arith.index_cast %mul3A_86 : i32 to index
      %get3A_89 = vector.load %arg2[%get3A_87, %get3A_88] : memref<1x16384xf32, #tpu.memory_space<vmem>>, vector<1x2048xf32>
      %eq3A_90 = arith.constant 0 : i32
      %eq3A_91 = vector.broadcast %eq3A_90 : i32 to vector<1x2048xi32>
      %eq3A_92 = arith.cmpi eq, %get3A_84, %eq3A_91 : vector<1x2048xi32>
      %jit3A_93 = arith.constant 1.000000e+00 : f32
      %jit3A_94 = arith.constant 0.000000e+00 : f32
      %broadcast_in_dim3A_95 = vector.broadcast %jit3A_93 : f32 to vector<1x2048xf32>
      %broadcast_in_dim3A_96 = vector.broadcast %jit3A_94 : f32 to vector<1x2048xf32>
      %select_n3A_97 = arith.select %eq3A_92, %broadcast_in_dim3A_95, %broadcast_in_dim3A_96 : vector<1x2048xi1>, vector<1x2048xf32>
      %jit3A_98 = arith.constant 0.000000e+00 : f32
      %broadcast_in_dim3A_99 = vector.broadcast %jit3A_98 : f32 to vector<1x2048xf32>
      %select_n3A_100 = arith.select %eq3A_92, %get3A_79, %broadcast_in_dim3A_99 : vector<1x2048xi1>, vector<1x2048xf32>
      %mul3A_101 = arith.mulf %select_n3A_100, %get3A_79 : vector<1x2048xf32>
      %ge3A = vector.broadcast %get3A_79 : vector<1x2048xf32> to vector<256x2048xf32>
      %ge3A_102 = vector.broadcast %add3A_41 : vector<256x1xf32> to vector<256x2048xf32>
      %ge3A_103 = arith.cmpf oge, %ge3A, %ge3A_102 : vector<256x2048xf32>
      %jit3A_104 = arith.constant 0.000000e+00 : f32
      %broadcast_in_dim3A_105 = vector.shape_cast %select_n3A_97 : vector<1x2048xf32> to vector<1x2048xf32>
      %broadcast_in_dim3A_106 = vector.broadcast %broadcast_in_dim3A_105 : vector<1x2048xf32> to vector<256x2048xf32>
      %broadcast_in_dim3A_107 = vector.broadcast %jit3A_104 : f32 to vector<256x2048xf32>
      %select_n3A_108 = arith.select %ge3A_103, %broadcast_in_dim3A_106, %broadcast_in_dim3A_107 : vector<256x2048xi1>, vector<256x2048xf32>
      %reduce_sum3A_109 = arith.constant dense<0.000000e+00> : vector<256xf32>
      %reduce_sum3A_110 = vector.multi_reduction <add>, %select_n3A_108, %reduce_sum3A_109 [1] : vector<256x2048xf32> to vector<256xf32>
      %broadcast_in_dim3A_111 = vector.shape_cast %reduce_sum3A_110 : vector<256xf32> to vector<256x1xf32>
      %add3A_112 = arith.addf %scan3A_69, %broadcast_in_dim3A_111 : vector<256x1xf32>
      %jit3A_113 = arith.constant 0.000000e+00 : f32
      %broadcast_in_dim3A_114 = vector.shape_cast %select_n3A_100 : vector<1x2048xf32> to vector<1x2048xf32>
      %broadcast_in_dim3A_115 = vector.broadcast %broadcast_in_dim3A_114 : vector<1x2048xf32> to vector<256x2048xf32>
      %broadcast_in_dim3A_116 = vector.broadcast %jit3A_113 : f32 to vector<256x2048xf32>
      %select_n3A_117 = arith.select %ge3A_103, %broadcast_in_dim3A_115, %broadcast_in_dim3A_116 : vector<256x2048xi1>, vector<256x2048xf32>
      %reduce_sum3A_118 = arith.constant dense<0.000000e+00> : vector<256xf32>
      %reduce_sum3A_119 = vector.multi_reduction <add>, %select_n3A_117, %reduce_sum3A_118 [1] : vector<256x2048xf32> to vector<256xf32>
      %broadcast_in_dim3A_120 = vector.shape_cast %reduce_sum3A_119 : vector<256xf32> to vector<256x1xf32>
      %add3A_121 = arith.addf %scan3A_70, %broadcast_in_dim3A_120 : vector<256x1xf32>
      %jit3A_122 = arith.constant 0.000000e+00 : f32
      %broadcast_in_dim3A_123 = vector.shape_cast %mul3A_101 : vector<1x2048xf32> to vector<1x2048xf32>
      %broadcast_in_dim3A_124 = vector.broadcast %broadcast_in_dim3A_123 : vector<1x2048xf32> to vector<256x2048xf32>
      %broadcast_in_dim3A_125 = vector.broadcast %jit3A_122 : f32 to vector<256x2048xf32>
      %select_n3A_126 = arith.select %ge3A_103, %broadcast_in_dim3A_124, %broadcast_in_dim3A_125 : vector<256x2048xi1>, vector<256x2048xf32>
      %reduce_sum3A_127 = arith.constant dense<0.000000e+00> : vector<256xf32>
      %reduce_sum3A_128 = vector.multi_reduction <add>, %select_n3A_126, %reduce_sum3A_127 [1] : vector<256x2048xf32> to vector<256xf32>
      %broadcast_in_dim3A_129 = vector.shape_cast %reduce_sum3A_128 : vector<256xf32> to vector<256x1xf32>
      %add3A_130 = arith.addf %scan3A_71, %broadcast_in_dim3A_129 : vector<256x1xf32>
      %sub3A_131 = arith.constant 1.000000e+00 : f32
      %sub3A_132 = vector.broadcast %sub3A_131 : f32 to vector<1x2048xf32>
      %sub3A_133 = arith.subf %sub3A_132, %get3A_79 : vector<1x2048xf32>
      %max3A = arith.constant 0.000000e+00 : f32
      %max3A_134 = vector.broadcast %max3A : f32 to vector<1x2048xf32>
      %max3A_135 = arith.maximumf %get3A_89, %max3A_134 : vector<1x2048xf32>
      %sqrt3A = math.sqrt %max3A_135 : vector<1x2048xf32>
      %sub3A_136 = arith.subf %sqrt3A, %sub3A_133 : vector<1x2048xf32>
      %sub3A_137 = vector.broadcast %reduce_min3A_25 : f32 to vector<1x2048xf32>
      %sub3A_138 = arith.subf %sub3A_136, %sub3A_137 : vector<1x2048xf32>
      %mul3A_139 = vector.broadcast %select_n3A_36 : f32 to vector<1x2048xf32>
      %mul3A_140 = arith.mulf %sub3A_138, %mul3A_139 : vector<1x2048xf32>
      %floor3A = math.floor %mul3A_140 : vector<1x2048xf32>
      %add3A_141 = arith.constant 1.000000e+00 : f32
      %add3A_142 = vector.broadcast %add3A_141 : f32 to vector<1x2048xf32>
      %add3A_143 = arith.addf %floor3A, %add3A_142 : vector<1x2048xf32>
      %jit3A_144 = arith.constant 0.000000e+00 : f32
      %jit3A_145 = arith.constant 2.550000e+02 : f32
      %max3A_146 = vector.broadcast %jit3A_144 : f32 to vector<1x2048xf32>
      %max3A_147 = arith.maximumf %max3A_146, %add3A_143 : vector<1x2048xf32>
      %min3A = vector.broadcast %jit3A_145 : f32 to vector<1x2048xf32>
      %min3A_148 = arith.minimumf %min3A, %max3A_147 : vector<1x2048xf32>
      %eq3A_149 = arith.constant 1 : i32
      %eq3A_150 = vector.broadcast %eq3A_149 : i32 to vector<1x2048xi32>
      %eq3A_151 = arith.cmpi eq, %get3A_84, %eq3A_150 : vector<1x2048xi32>
      %lt3A = vector.broadcast %reduce_max3A_32 : f32 to vector<1x2048xf32>
      %lt3A_152 = arith.cmpf olt, %sub3A_136, %lt3A : vector<1x2048xf32>
      %and3A = arith.andi %eq3A_151, %lt3A_152 : vector<1x2048xi1>
      %jit3A_153 = arith.constant 1.000000e+00 : f32
      %jit3A_154 = arith.constant 0.000000e+00 : f32
      %broadcast_in_dim3A_155 = vector.broadcast %jit3A_153 : f32 to vector<1x2048xf32>
      %broadcast_in_dim3A_156 = vector.broadcast %jit3A_154 : f32 to vector<1x2048xf32>
      %select_n3A_157 = arith.select %and3A, %broadcast_in_dim3A_155, %broadcast_in_dim3A_156 : vector<1x2048xi1>, vector<1x2048xf32>
      %jit3A_158 = arith.constant 0.000000e+00 : f32
      %broadcast_in_dim3A_159 = vector.broadcast %jit3A_158 : f32 to vector<1x2048xf32>
      %select_n3A_160 = arith.select %and3A, %sub3A_133, %broadcast_in_dim3A_159 : vector<1x2048xi1>, vector<1x2048xf32>
      %mul3A_161 = arith.mulf %select_n3A_160, %sub3A_133 : vector<1x2048xf32>
      %eq3A_162 = vector.broadcast %min3A_148 : vector<1x2048xf32> to vector<256x2048xf32>
      %eq3A_163 = vector.broadcast %convert_element_type3A_37 : vector<256x1xf32> to vector<256x2048xf32>
      %eq3A_164 = arith.cmpf oeq, %eq3A_162, %eq3A_163 : vector<256x2048xf32>
      %jit3A_165 = arith.constant 0.000000e+00 : f32
      %broadcast_in_dim3A_166 = vector.shape_cast %select_n3A_157 : vector<1x2048xf32> to vector<1x2048xf32>
      %broadcast_in_dim3A_167 = vector.broadcast %broadcast_in_dim3A_166 : vector<1x2048xf32> to vector<256x2048xf32>
      %broadcast_in_dim3A_168 = vector.broadcast %jit3A_165 : f32 to vector<256x2048xf32>
      %select_n3A_169 = arith.select %eq3A_164, %broadcast_in_dim3A_167, %broadcast_in_dim3A_168 : vector<256x2048xi1>, vector<256x2048xf32>
      %reduce_sum3A_170 = arith.constant dense<0.000000e+00> : vector<256xf32>
      %reduce_sum3A_171 = vector.multi_reduction <add>, %select_n3A_169, %reduce_sum3A_170 [1] : vector<256x2048xf32> to vector<256xf32>
      %broadcast_in_dim3A_172 = vector.shape_cast %reduce_sum3A_171 : vector<256xf32> to vector<256x1xf32>
      %add3A_173 = arith.addf %scan3A_72, %broadcast_in_dim3A_172 : vector<256x1xf32>
      %jit3A_174 = arith.constant 0.000000e+00 : f32
      %broadcast_in_dim3A_175 = vector.shape_cast %select_n3A_160 : vector<1x2048xf32> to vector<1x2048xf32>
      %broadcast_in_dim3A_176 = vector.broadcast %broadcast_in_dim3A_175 : vector<1x2048xf32> to vector<256x2048xf32>
      %broadcast_in_dim3A_177 = vector.broadcast %jit3A_174 : f32 to vector<256x2048xf32>
      %select_n3A_178 = arith.select %eq3A_164, %broadcast_in_dim3A_176, %broadcast_in_dim3A_177 : vector<256x2048xi1>, vector<256x2048xf32>
      %reduce_sum3A_179 = arith.constant dense<0.000000e+00> : vector<256xf32>
      %reduce_sum3A_180 = vector.multi_reduction <add>, %select_n3A_178, %reduce_sum3A_179 [1] : vector<256x2048xf32> to vector<256xf32>
      %broadcast_in_dim3A_181 = vector.shape_cast %reduce_sum3A_180 : vector<256xf32> to vector<256x1xf32>
      %add3A_182 = arith.addf %scan3A_73, %broadcast_in_dim3A_181 : vector<256x1xf32>
      %jit3A_183 = arith.constant 0.000000e+00 : f32
      %broadcast_in_dim3A_184 = vector.shape_cast %mul3A_161 : vector<1x2048xf32> to vector<1x2048xf32>
      %broadcast_in_dim3A_185 = vector.broadcast %broadcast_in_dim3A_184 : vector<1x2048xf32> to vector<256x2048xf32>
      %broadcast_in_dim3A_186 = vector.broadcast %jit3A_183 : f32 to vector<256x2048xf32>
      %select_n3A_187 = arith.select %eq3A_164, %broadcast_in_dim3A_185, %broadcast_in_dim3A_186 : vector<256x2048xi1>, vector<256x2048xf32>
      %reduce_sum3A_188 = arith.constant dense<0.000000e+00> : vector<256xf32>
      %reduce_sum3A_189 = vector.multi_reduction <add>, %select_n3A_187, %reduce_sum3A_188 [1] : vector<256x2048xf32> to vector<256xf32>
      %broadcast_in_dim3A_190 = vector.shape_cast %reduce_sum3A_189 : vector<256xf32> to vector<256x1xf32>
      %add3A_191 = arith.addf %scan3A_74, %broadcast_in_dim3A_190 : vector<256x1xf32>
      scf.yield %add3A_112, %add3A_121, %add3A_130, %add3A_173, %add3A_182, %add3A_191 : vector<256x1xf32>, vector<256x1xf32>, vector<256x1xf32>, vector<256x1xf32>, vector<256x1xf32>, vector<256x1xf32>
    }
    %scan3A_48 = arith.constant 8 : i32
    %mul3A_49 = arith.mulf %scan3A_47#5, %scan3A_47#0 : vector<256x1xf32>
    %mul3A_50 = arith.mulf %scan3A_47#4, %scan3A_47#1 : vector<256x1xf32>
    %mul3A_51 = arith.constant 2.000000e+00 : f32
    %mul3A_52 = vector.broadcast %mul3A_51 : f32 to vector<256x1xf32>
    %mul3A_53 = arith.mulf %mul3A_52, %mul3A_50 : vector<256x1xf32>
    %add3A_54 = arith.addf %mul3A_49, %mul3A_53 : vector<256x1xf32>
    %mul3A_55 = arith.mulf %scan3A_47#3, %scan3A_47#2 : vector<256x1xf32>
    %add3A_56 = arith.addf %add3A_54, %mul3A_55 : vector<256x1xf32>
    %reduce_sum3A_57 = vector.shape_cast %add3A_56 : vector<256x1xf32> to vector<1x256x1xf32>
    %reduce_sum3A_58 = arith.constant dense<0.000000e+00> : vector<1xf32>
    %reduce_sum3A_59 = vector.multi_reduction <add>, %reduce_sum3A_57, %reduce_sum3A_58 [1, 2] : vector<1x256x1xf32> to vector<1xf32>
    %reduce_sum3A_60 = vector.shape_cast %reduce_sum3A_59 : vector<1xf32> to vector<1x1x1xf32>
    %reduce_sum3A_61 = vector.extract %reduce_sum3A_60[0, 0, 0] : f32 from vector<1x1x1xf32>
    %mul3A_62 = arith.mulf %reduce_sum3A_14, %reduce_sum3A_21 : f32
    %div3A_63 = arith.divf %reduce_sum3A_61, %mul3A_62 : f32
    %div3A_64 = arith.constant 2.000000e-01 : f32
    %div3A_65 = arith.divf %div3A_63, %div3A_64 : f32
    %reshape3A = vector.broadcast %div3A_65 : f32 to vector<1x1xf32>
    %swap3A = arith.constant 0 : index
    %swap3A_66 = arith.constant 0 : index
    %swap3A_67 = vector.load %arg3[%swap3A, %swap3A_66] : memref<1x1xf32, #tpu.memory_space<vmem>>, vector<1x1xf32>
    tpu.vector_store %arg3[%swap3A, %swap3A_66], %reshape3A {strides = array<i32>} : memref<1x1xf32, #tpu.memory_space<vmem>>, vector<1x1xf32>,
    return
  }
}

</mosaic_0001>

<sc_bundles>
// kernel: gather_offload_async_start
scs
__scs_entry_jumppad:
0x0: {  	(pc) =	sbr.rel $0x88, $3  }
0x1: {  	(tag) =	ssettag $0x0;
	lr =	simm.s32 $0x1  }
0x2: {  	[smem:$0x3F9D] =	sst lr;
	_ =	strace $0xD0000000  }
0x3: {  	_ = 	snop  }
0x4: {  	_ = 	snop  }
0x5: {  	_ = 	snop  }
0x6: {  	_ = 	snop  }
0x7: {  	_ = 	snop  }
__scs_overlays_trampoline_lowered:
0x8: {  	[smem:$0x3FAC] =	sst s0  }
0x9: {  	[smem:$0x3FAD] =	sst s1  }
0xa: {  	[smem:$0x3FAE] =	sst s2  }
0xb: {  	[smem:$0x3FAF] =	sst s3  }
0xc: {  	[smem:$0x3FB0] =	sst s4  }
0xd: {  	[smem:$0x3FB1] =	sst s5  }
0xe: {  	[smem:$0x3FB2] =	sst s6  }
0xf: {  	[smem:$0x3FB3] =	sst s7  }
0x10: {  	[smem:$0x3FB4] =	sst s8  }
0x11: {  	[smem:$0x3FB5] =	sst s9;
	s0 =	simm.s32 @!p0 $0x0  }
0x12: {  	s1 =	sld [smem:$0x3F9B];
	s0 =	simm.s32 @p0 $0x1  }
0x13: {  	[smem:$0x3FB6] =	sst s0;
	s0 =	simm.s32 @!p1 $0x0  }
0x14: {  	s2 =	sld [smem:$0x3F9A];
	s0 =	simm.s32 @p1 $0x1  }
0x15: {  	[smem:$0x3FB7] =	sst s0;
	s0 =	simm.s32 @!p2 $0x0  }
0x16: {  	s3 =	sld [smem:$0x3FDB];
	s0 =	simm.s32 @p2 $0x1  }
0x17: {  	s4 =	simm.s32 $0x1BF5;
	[smem:$0x3FB9] =	sst s0  }
0x18: {  	s0 =	sld [smem:$0x3F9C];
	_ =	swait.ge [sflag:s4], $0x0  }
0x19: {  	s7 =	sld [smem:$0x3F9D]  }
0x1a: {  	s8 =	sadd.s32 $0xFFFFE003, lr  }
0x1b: {  	s9 =	sadd.s32 $0xFFFFFEF7, lr;
	s5 =	simm.s32 $0xFFFFFFFF;
	p2 =	slt.u32 s8, $0xFFFFF086  }
0x1c: {  	p1 =	slt.u32 s9, $0xF7A;
	s5 =	simm.s32 @!p2 $0x0  }
0x1d: {  	s5 =	simm.s32 @p1 $0x1;
	p0 =	seq.s32 s7, s2  }
0x1e: {  	s7 =	smul.u32 @!p0 $0xF7A, s2;
	p2 =	seq.s32 @!p0 s5, $0x0  }
0x1f: {  	s9 =	smul.u32 $0xF7A, s1;
	s8 =	simm.s32 @!p0 $0x1BF5;
	p2 =	por !p2, p0  }
0x20: {  	[sflag:s8] =	ssyncset.s32 @!p0 $0xFFFFF086;
	s6 =	sadd.s32 @!p0 s3, s7;
	s7 =	simm.s32 @!p0 $0x108  }
0x21: {  	s3 =	sadd.s32 s3, s9;
	s6 =	sadd.s32 @!p0 $0x88, s6;
	s7 =	simm.s32 @p2 $0x1082  }
0x22: {  	[simem:s7], [sflag:s8] =	dma.local @!p0 [hbm:s6], $0xF7A  }
0x23: {  	s9 =	sor.u32 $0xD0000000, s2;
	s6 =	simm.s32 $0x108;
	_ =	swait.ge @!p0 [sflag:s8], $0x0  }
0x24: {  	s3 =	sadd.s32 $0x88, s3;
	s6 =	simm.s32 @!p1 $0x1082;
	[sflag:s4] =	ssyncset.s32 $0xFFFFF086  }
0x25: {  	[simem:s6], [sflag:s4] =	dma.local [hbm:s3], $0xF7A  }
0x26: {  	[smem:$0x3F9D] =	sst s1;
	(tag) =	ssettag s2;
	_ =	strace s9  }
0x27: {  	s1 =	sld [smem:$0x3FAD]  }
0x28: {  	s2 =	sld [smem:$0x3FAE]  }
0x29: {  	s4 =	sld [smem:$0x3FB0]  }
0x2a: {  	p0 =	seq.s32 s5, $0x0;
	s5 =	sld [smem:$0x3FB1]  }
0x2b: {  	s6 =	sld [smem:$0x3FB2]  }
0x2c: {  	s7 =	sld [smem:$0x3FB3]  }
0x2d: {  	s3 =	simm.s32 $0x108;
	s8 =	sld [smem:$0x3FB4]  }
0x2e: {  	s3 =	simm.s32 @!p0 $0x1082;
	s9 =	sld [smem:$0x3FB5]  }
0x2f: {  	lr =	sadd.s32 s0, s3;
	s0 =	sld [smem:$0x3FAC]  }
0x30: {  	s3 =	sld [smem:$0x3FAF]  }
0x31: {  	[smem:$0x3FB8] =	sst s10  }
0x32: {  	s10 =	sld [smem:$0x3FB6];
	_ =	sdelay $0x3  }
0x33: {  	p0 =	seq.s32 s10, $0x1;
	s10 =	sld [smem:$0x3FB8];
	_ =	sdelay $0x3  }
0x34: {  	[smem:$0x3FB8] =	sst s10  }
0x35: {  	s10 =	sld [smem:$0x3FB7];
	_ =	sdelay $0x3  }
0x36: {  	p1 =	seq.s32 s10, $0x1;
	s10 =	sld [smem:$0x3FB8];
	_ =	sdelay $0x3  }
0x37: {  	[smem:$0x3FB8] =	sst s10  }
0x38: {  	s10 =	sld [smem:$0x3FB9]  }
0x39: {  	_ = 	snop;
	(pc) =	sbr.ind lr, $3  }
0x3a: {  	_ = 	snop  }
0x3b: {  	_ = 	snop  }
0x3c: {  	p2 =	seq.s32 s10, $0x1;
	s10 =	sld [smem:$0x3FB8]  }
0x3d: {  	_ =	shalt  }
0x3e: {  	_ =	shalt  }
0x3f: {  	_ =	shalt  }
0x40: {  	_ =	shalt  }
0x41: {  	_ =	shalt  }
0x42: {  	_ =	shalt  }
0x43: {  	_ =	shalt  }
0x44: {  	_ =	shalt  }
0x45: {  	_ =	shalt  }
0x46: {  	_ =	shalt  }
0x47: {  	_ =	shalt  }
0x48: {  	_ =	shalt  }
0x49: {  	_ =	shalt  }
0x4a: {  	_ =	shalt  }
0x4b: {  	_ =	shalt  }
0x4c: {  	_ =	shalt  }
0x4d: {  	_ =	shalt  }
0x4e: {  	_ =	shalt  }
0x4f: {  	_ =	shalt  }
0x50: {  	_ =	shalt  }
0x51: {  	_ =	shalt  }
0x52: {  	_ =	shalt  }
0x53: {  	_ =	shalt  }
0x54: {  	_ =	shalt  }
0x55: {  	_ =	shalt  }
0x56: {  	_ =	shalt  }
0x57: {  	_ =	shalt  }
0x58: {  	_ =	shalt  }
0x59: {  	_ =	shalt  }
0x5a: {  	_ =	shalt  }
0x5b: {  	_ =	shalt  }
0x5c: {  	_ =	shalt  }
0x5d: {  	_ =	shalt  }
0x5e: {  	_ =	shalt  }
0x5f: {  	_ =	shalt  }
0x60: {  	_ =	shalt  }
0x61: {  	_ =	shalt  }
0x62: {  	_ =	shalt  }
0x63: {  	_ =	shalt  }
0x64: {  	_ =	shalt  }
0x65: {  	_ =	shalt  }
0x66: {  	_ =	shalt  }
0x67: {  	_ =	shalt  }
0x68: {  	_ =	shalt  }
0x69: {  	_ =	shalt  }
0x6a: {  	_ =	shalt  }
0x6b: {  	_ =	shalt  }
0x6c: {  	_ =	shalt  }
0x6d: {  	_ =	shalt  }
0x6e: {  	_ =	shalt  }
0x6f: {  	_ =	shalt  }
0x70: {  	_ =	shalt  }
0x71: {  	_ =	shalt  }
0x72: {  	_ =	shalt  }
0x73: {  	_ =	shalt  }
0x74: {  	_ =	shalt  }
0x75: {  	_ =	shalt  }
0x76: {  	_ =	shalt  }
0x77: {  	_ =	shalt  }
0x78: {  	_ =	shalt  }
0x79: {  	_ =	shalt  }
0x7a: {  	_ =	shalt  }
0x7b: {  	_ =	shalt  }
0x7c: {  	_ =	shalt  }
0x7d: {  	_ =	shalt  }
0x7e: {  	_ =	shalt  }
0x7f: {  	_ =	shalt  }
0x80: {  	_ =	shalt  }
0x81: {  	_ =	shalt  }
0x82: {  	_ =	shalt  }
0x83: {  	_ =	shalt  }
0x84: {  	_ =	shalt  }
0x85: {  	_ =	shalt  }
0x86: {  	_ =	shalt  }
0x87: {  	_ =	shalt  }
.Lfunc_end0:
.L_simem_size_0:
called_computation_lowered:
.L_overlay_start_0:
0x88: {  	s2 =	sld [smem:$0x3FD9]  }
0x89: {  	s3 =	sld [smem:$0x3FFE];
	_ =	sdelay $0x1  }
0x8a: {  	s1 =	srdreg.scid  }
0x8b: {  	s0 =	sand.u32 $0x1, s1  }
0x8c: {  	s17 =	sshll.u32 s0, $0xA;
	s2 =	sadd.s32 s3, s2  }
0x8d: {  	s2 =	sadd.s32 s2, s17  }
0x8e: {  	[smem:$0x3FC4] =	sst s2  }
0x8f: {  	_ = 	snop  }
0x90: {  	s2 =	sld [smem:$0x3FC6];
	(tm) =	ssettm $0x1  }
0x91: {  	s18 =	sld [smem:$0x3FFB];
	_ =	sdelay $0x3  }
0x92: {  	_ =	strace s18  }
0x93: {  	s3 =	sld [smem:$0x3FFC];
	_ =	sdelay $0x3  }
0x94: {  	_ =	strace s3  }
0x95: {  	s3 =	sld [smem:$0x3FFD];
	_ =	sdelay $0x3  }
0x96: {  	_ =	strace s3  }
0x97: {  	_ =	strace $0x8FFFFFFF  }
0x98: {  	s19 =	sld [smem:$0x3FDB];
	_ =	sdelay $0x1  }
0x99: {  	s4 =	simm.s32 $_scs_section_size  }
0x9a: {  	s5 =	simm.s32 $_size__tile_overlayer_lowered;
	s6 =	simm.s32 $_tile_overlayer_lowered  }
0x9b: {  	s22 =	simm.s32 $0x1BFF;
	s21 =	sshll.u32 s6, $0x1;
	s3 =	sadd.s32 s4, s19  }
0x9c: {  	s7 =	simm.s32 $0x0;
	s20 =	sshll.u32 s5, $0x1;
	s5 =	sadd.s32 s21, s3  }
0x9d: {  	[timem:s7], [sflag:s22] =	dma.local [hbm:s5], s20  }
0x9e: {  	_ =	swait.ge [sflag:s22], s20  }
0x9f: {  	s4 =	ssub.s32 $0x0, s20;
	[sflag:s22] =	ssyncset.done $0x0  }
0xa0: {  	[sflag:s22] =	ssyncadd.s32 s4;
	_ =	sdelay $0x1  }
0xa1: {  	s23 =	simm.s32 $0x1B8B  }
0xa2: {  	_ =	swait.ge [sflag:s23], $0x1  }
0xa3: {  	[sflag:s23] =	ssyncset.done $0x0  }
0xa4: {  	s25 =	simm.s32 $0x1B8E;
	s24 =	sld [smem:$0x3FFE];
	[sflag:s23] =	ssyncadd.s32 $0xFFFFFFFF  }
0xa5: {  	s26 =	simm.s32 $execute0_lowered;
	[smem:$0x3FD2] =	sst s25  }
0xa6: {  	s5 =	sshll.u32 s26, $0x1;
	_ =	strace $0x80000046;
	[dreg:$0x1] =	wrdreg $0xFFFFFFFF  }
0xa7: {  	s28 =	simm.s32 $_size_execute0_lowered;
	s3 =	sadd.s32 s3, s5;
	[dreg:$0x0] =	wrdreg $0x0  }
0xa8: {  	s5 =	sshll.u32 s28, $0x1;
	[dreg:$0x2] =	wrdreg s3  }
0xa9: {  	[dreg:$0x3] =	wrdreg s5  }
0xaa: {  	[dreg:$0x4] =	wrdreg $0xC0  }
0xab: {  	_ =	task [dreg:s7], $0x5FFFF  }
0xac: {  	[dreg:$0x1] =	wrdreg $0xFFFFFFFF  }
0xad: {  	[dreg:$0x0] =	wrdreg $0x60  }
0xae: {  	[dreg:$0x2] =	wrdreg s2  }
0xaf: {  	[dreg:$0x3] =	wrdreg s24  }
0xb0: {  	[dreg:$0x4] =	wrdreg $0x9  }
0xb1: {  	_ =	task.clear_ibuf [dreg:s7], $0x5FFFF;
	_ =	strace $0x90000046  }
0xb2: {  	s29 =	simm.s32 $0x9;
	_ =	strace $0x80000048  }
0xb3: {  	_ =	swait.ge [sflag:s29], $0x1  }
0xb4: {  	[sflag:s29] =	ssyncadd.s32 $0xFFFFFFFF  }
0xb5: {  	_ =	strace $0x90000048  }
0xb6: {  	_ =	sfence  }
0xb7: {  	s30 =	sld [smem:$0x0];
	_ =	sdelay $0x2  }
0xb8: {  	s31 =	sshll.u32 s1, $0xD;
	s1 =	sshrl.u32 s1, $0x2  }
0xb9: {  	s3 =	sand.u32 $0x4000, s31;
	s1 =	sadd.s32 s1, s30  }
0xba: {  	s0 =	sor.u32 s3, s0;
	s1 =	sshll.u32 s1, $0x11  }
0xbb: {  	s0 =	sor.u32 s1, s0  }
0xbc: {  	s0 =	sadd.s32 $0x8F2B, s0  }
0xbd: {  	[sflag:s0] =	ssyncadd.remote.s32 $0x1  }
0xbe: {  	_ =	sfence.sel $0xFFFF  }
0xbf: {  	[dreg:$0x0] =	wrdreg $0xFFFFFFFF;
	(pc) =	sbr.abs _section_cstart, $3  }
0xc0: {  	[dreg:$0x1] =	wrdreg $0xFFFFFFFF  }
0xc1: {  	_ =	task.clear_ibuf [dreg:s7], $0x2FFFF;
	_ =	strace $0x9FFFFFFF  }
0xc2: {  	(tm) =	ssettm $0x7FFFFFFF  }
0xc3: {  	_ =	shalt  }
tec
execute0_lowered:
.L_overlay_start_1:
0x0: {  	(tag) =	ssettag $0x1  }
0x1: {  	s1 =	srdreg.scid;
	s2 =	rddreg [dreg:$0x0]  }
0x2: {  	s0 =	stileid.u32;
	s5 =	rddreg [dreg:$0x1];
	s6 =	simm.s32 $0x1  }
0x3: {  	s9 =	simm.s32 $0x1;
	s10 =	simm.s32 $0x3;
	s1 =	sshll.u32 s1, $0x8  }
0x4: {  	s13 =	simm.s32 $0x0;
	s3 =	sshll.u32 s0, $0x9;
	s4 =	sand.u32 $0x100, s1  }
0x5: {  	s12 =	simm.s32 $0x0;
	s1 =	rddreg [dreg:$0x2];
	s3 =	sor.u32 s3, s4  }
0x6: {  	_ =	strace $0x80000047;
	s4 =	sadd.s32 $0xA00, s5;
	s8 =	ssub.s32 $0x4000, s3  }
.Ltmp0:
0x7: {  	s5 =	sadd.s32 $0x1200, s5;
	s7 =	sand.u32 $0x1F00, s8;
	(pc) =	sbr.rel .LBB2_1-.Ltmp0, $4  }
0x8: {  	[sflag:s6] =	ssyncpa.u1 $0x0;
	s11 =	smov.u32 s3;
	p0 =	sne.s32 s7, $0x0  }
0x9: {  	s8 =	sshrl.u32 s8, $0xD;
	s7 =	simm.s32 $0x2;
	s9 =	simm.s32 @!p0 $0x0  }
0xa: {  	[sflag:s7] =	ssyncpa.u1 $0x0;
	p0 =	por $0x0, $0x0;
	s8 =	sadd.s32 s9, s8  }
0xb: {  	vm0 =	vmmov $0xffff;
	[sflag:s10] =	ssyncpa.u1 $0x0;
	s10 =	simm.s32 $0x0;
	s9 =	sadd.s32 $0x1, s8  }
.LBB2_4:
0xc: {  	v2 =	vnsel vm1, $0x0, v2  }
0xd: {  	vm1 =	vgt.s32 v0, $0x0;
	v2 =	vmin.u32 v2, $0x3FFF  }
0xe: {  	v0 =	vnsel vm1, $0x0, v0  }
0xf: {  	v0 =	vmin.u32 v0, $0x3FFF  }
0x10: {  	[tilespmem:s15], [sflag:$0x1] =	stream.indirect_vreg.gather [hbm4b:s2+s10], $0x1, v1, vm0, $0x4038;
	[tilespmem:$0x400] =	vst v63  }
0x11: {  	(ifvalue) =	ssetifvalue $0x7FFFFFFF  }
0x12: {  	[tilespmem:s16], [sflag:$0x1] =	stream.indirect_vreg.gather [hbm4b:s2+s10], $0x1, v2, vm0, $0x4038;
	[tilespmem:$0x400] =	vst v63  }
0x13: {  	s29 =	sadd.s32 $0x10, s16;
	(ifvalue) =	ssetifvalue $0x7FFFFFFF  }
0x14: {  	[tilespmem:s29], [sflag:$0x1] =	stream.indirect_vreg.gather [hbm4b:s2+s10], $0x1, v0, vm0, $0x4038;
	[tilespmem:$0x400] =	vst v63  }
0x15: {  	_ =	swait.ge [sflag:s6], $0x100  }
0x16: {  	s30 =	sshrl.u32 s13, $0x3;
	[sflag:s6] =	ssyncset.done $0x0  }
0x17: {  	s31 =	sand.u32 $0x7, s13;
	s15 =	sadd.s32 s5, s30;
	[sflag:s6] =	ssyncadd.s32 $0xFFFFFF00  }
0x18: {  	[hbm4b:s15+s31] =	stream.linear.scatter [tilespmem:s14], [sflag:$0x3], $0x100, $0x38;
	[tilespmem:$0x400] =	vst v63  }
.LBB2_5:
0x19: {  	s15 =	sadd.s32 $0x2000, s11  }
0x1a: {  	p2 =	sgt.s32 s15, $0x3FFF  }
0x1b: {  	s15 =	smov.u32 @p2 s3;
	p2 =	sne.s32 s12, s9  }
.Ltmp1:
0x1c: {  	p1 =	slt.u32 s12, $0x2;
	(pc) =	sbr.rel @!p2 .LBB2_6-.Ltmp1, $4  }
0x1d: {  	s14 =	simm.s32 @!p1 $0x3  }
0x1e: {  	s16 =	sadd.s32 $0x1, s12;
	_ =	swait.ge @!p1 [sflag:s14], $0x100  }
0x1f: {  	s13 =	smov.u32 s11;
	p0 =	por !p0, !p0;
	[sflag:s14] =	ssyncset.done @!p1 $0x0  }
0x20: {  	s12 =	smov.u32 s16;
	s11 =	smov.u32 s15;
	[sflag:s14] =	ssyncadd.s32 @!p1 $0xFFFFFF00  }
.LBB2_1:
0x21: {  	p1 =	sge.u32 s12, s8  }
0x22: {  	s14 =	sxor.u32 @!p1 $0xFFFFFFFF, s12  }
0x23: {  	s31 =	sadd.s32 $0xFFFFFFFF, s12;
	s15 =	sshrl.u32 @!p1 s11, $0x3;
	s14 =	sshll.u32 @!p1 s14, $0x8  }
0x24: {  	s16 =	sand.u32 @!p1 $0x7, s11;
	s15 =	sadd.s32 @!p1 s4, s15;
	s14 =	sand.u32 @!p1 $0x100, s14  }
0x25: {  	[tilespmem:s14], [sflag:$0x2] =	stream.linear.gather @!p1 [hbm4b:s15+s16], $0x100, $0x38;
	[tilespmem:$0x400] =	vst v63  }
0x26: {  	p1 =	sge.u32 s31, s8  }
.Ltmp2:
0x27: {  	_ = 	snop;
	(pc) =	sbr.rel @p1 .LBB2_5-.Ltmp2, $1  }
0x28: {  	_ =	sdelay $0x3  }
0x29: {  	s14 =	simm.s32 $0x1  }
0x2a: {  	_ =	swait.ge [sflag:s7], $0x100;
	s14 =	simm.s32 @!p0 $0x0  }
0x2b: {  	[sflag:s7] =	ssyncset.done $0x0;
	s14 =	sshll.u32 s14, $0x8  }
0x2c: {  	[sflag:s7] =	ssyncadd.s32 $0xFFFFFF00;
	(ifvalue) =	ssetifvalue $0x7FFFFFFF;
	v0 =	vld.msk [tilespmem:s14+$0x0 ss:$0x1], $0xffff;
	_ =	sdelay $0x4  }
0x2d: {  	s15 =	sadd.s32 $0x10, s14;
	vm1 =	vgt.s32 v0, $0x0  }
0x2e: {  	v2 =	vld.msk [tilespmem:s15+$0x0 ss:$0x1], $0xffff;
	v1 =	vnsel vm1, $0x0, v0  }
0x2f: {  	v1 =	vmin.u32 v1, $0x3FFF;
	_ =	sdelay $0x1  }
0x30: {  	s16 =	sshll.u32 s12, $0x8;
	s18 =	simm.s32 $0x20  }
0x31: {  	s16 =	sand.u32 $0x100, s16;
	s17 =	sadd.s32 $0x10, s15;
	s15 =	sor.u32 $0x200, s14  }
0x32: {  	s14 =	sor.u32 $0x200, s16;
	s16 =	sadd.s32 $0x10, s15;
	v0 =	vld.msk [tilespmem:s17+$0x0 ss:$0x1], $0xffff;
	vm1 =	vgt.s32 v2, $0x0;
	(ifvalue) =	ssetifvalue $0x7FFFFFFF  }
.LBB2_3:
0x33: {  	[tilespmem:s15], [sflag:$0x1] =	stream.indirect_vreg.gather [hbm4b:s2+s10], $0x1, v1, vm0, $0x4038;
	[tilespmem:$0x400] =	vst v63  }
0x34: {  	s18 =	sadd.s32 $0x10, s18  }
0x35: {  	v2 =	vnsel vm1, $0x0, v2;
	p1 =	slt.u32 s18, $0xF0  }
.Ltmp3:
0x36: {  	s15 =	smov.u32 s16;
	v1 =	vmin.u32 v2, $0x3FFF;
	(pc) =	sbr.rel @p1 .LBB2_3-.Ltmp3, $3  }
0x37: {  	_ =	sdelay $0x1  }
0x38: {  	s17 =	sadd.s32 $0x10, s17  }
0x39: {  	vm1 =	vgt.s32 v0, $0x0;
	s16 =	sadd.s32 $0x10, s16;
	v2 =	vmov v0;
	(ifvalue) =	ssetifvalue $0x7FFFFFFF;
	v0 =	vld.msk [tilespmem:s17+$0x0 ss:$0x1], $0xffff  }
.Ltmp4:
0x3a: {  	_ = 	snop;
	(pc) =	sbr.rel .LBB2_4-.Ltmp4, $1  }
0x3b: {  	_ =	sdelay $0x3  }
.LBB2_6:
0x3c: {  	_ =	sfence.sel $0x180000  }
0x3d: {  	s2 =	simm.s32 $0x2;
	[bflag:$0x0] =	sbarrier.arrive $0xFFFF  }
0x3e: {  	s30 =	simm.s32 $0x3;
	[sflag:s2] =	ssyncpa.u1 $0x1  }
0x3f: {  	s31 =	simm.s32 $0x1;
	[sflag:s30] =	ssyncpa.u1 $0x1  }
0x40: {  	[sflag:s31] =	ssyncpa.u1 $0x1  }
0x41: {  	p0 =	sne.s32 s0, $0x0;
	_ =	strace $0x90000047  }
0x42: {  	s0 =	sadd.s32 @!p0 $0x100000, s1;
	[bflag:$0x2] =	sbarrier.arrive $0xFFFF  }
0x43: {  	[sflag:s0] =	ssyncadd.tile.s32 @!p0 $0x1;
	_ =	shalt  }
.Lfunc_end2:
_tile_overlayer_lowered:
.L_overlay_start_2:
0x44: {  	(tag) =	ssettag $0x2  }
0x45: {  	s0 =	rddreg [dreg:$0x0];
	s2 =	stileid.u32  }
0x46: {  	s1 =	rddreg [dreg:$0x1];
	p0 =	sne.s32 s2, $0x0  }
0x47: {  	s3 =	rddreg [dreg:$0x2];
	[bflag:$0x3] =	sbarrier.arrive $0xFFFF;
	s2 =	simm.s32 @!p0 $0x1C01  }
0x48: {  	[timem:s3], [sflag:s2] =	dma.local @!p0 [hbm:s0], s1  }
0x49: {  	s0 =	simm.s32 @!p0 $0x1  }
0x4a: {  	_ =	swait.ge @!p0 [sflag:s0], s1  }
0x4b: {  	s1 =	ssub.s32 @!p0 $0x0, s1;
	[sflag:s0] =	ssyncset.done @!p0 $0x0  }
0x4c: {  	[sflag:s0] =	ssyncadd.s32 @!p0 s1  }
0x4d: {  	[bflag:$0x3] =	sbarrier.arrive $0xFFFF  }
0x4e: {  	_ =	shalt  }

</sc_bundles>
